<compile_context>
chip_gen: v7x
topology: tpu7x:2x2x1
jax: 0.10.2.dev20260603
libtpu: 0.0.44.dev20260713+nightly
codegen_flags: <defaults>
</compile_context>

<pallas_src>
import functools

import jax
import jax.numpy as jnp
from jax import lax
from jax.experimental import pallas as pl
from jax.experimental.pallas import tpu as pltpu
from jax.experimental.pallas import tpu_sc as plsc

E = 320000
D_IN = 512
EMB = 128
N_AT = 10000

BLK = 2560
GRID = E // BLK

NC = 2
NS = 16
NW = NC * NS
EP = 327680
CHUNK = EP // NW
ROWS = CHUNK // 128
NP = 10240
NPR = NP // 128

_INV_SQRT2 = 0.7071067811865476


def _ssilu(x):
    return (x * jax.nn.sigmoid(x)) * (1.0 / 0.6)


def _mlp_body(xs_ref, evx_ref, evy_ref, evz_ref, w0_ref, wa_ref, wb_ref,
              wo_ref, vx_ref, vy_ref, vz_ref):
    x = jnp.dot(xs_ref[...], w0_ref[...], preferred_element_type=jnp.float32)
    x = _ssilu(x)
    h = _ssilu(jnp.dot(x, wa_ref[...], preferred_element_type=jnp.float32))
    h = _ssilu(jnp.dot(h, wb_ref[...], preferred_element_type=jnp.float32))
    x = (x + h) * _INV_SQRT2
    xt = jnp.transpose(x)
    ft = jnp.dot(wo_ref[...], xt, preferred_element_type=jnp.float32)
    vx_ref[...] = ft * evx_ref[...]
    vy_ref[...] = ft * evy_ref[...]
    vz_ref[...] = ft * evz_ref[...]


def _mlp(xs, evxt, evyt, evzt, W0, Wr1a, Wr1b, WoT):
    row = jax.ShapeDtypeStruct((1, E), jnp.float32)
    return pl.pallas_call(
        _mlp_body,
        grid=(GRID,),
        in_specs=[
            pl.BlockSpec((BLK, D_IN), lambda i: (i, 0)),
            pl.BlockSpec((1, BLK), lambda i: (0, i)),
            pl.BlockSpec((1, BLK), lambda i: (0, i)),
            pl.BlockSpec((1, BLK), lambda i: (0, i)),
            pl.BlockSpec((D_IN, EMB), lambda i: (0, 0)),
            pl.BlockSpec((EMB, EMB), lambda i: (0, 0)),
            pl.BlockSpec((EMB, EMB), lambda i: (0, 0)),
            pl.BlockSpec((1, EMB), lambda i: (0, 0)),
        ],
        out_specs=[
            pl.BlockSpec((1, BLK), lambda i: (0, i)),
            pl.BlockSpec((1, BLK), lambda i: (0, i)),
            pl.BlockSpec((1, BLK), lambda i: (0, i)),
        ],
        out_shape=[row, row, row],
    )(xs, evxt, evyt, evzt, W0, Wr1a, Wr1b, WoT)


ACC = 3 * NP


def _scatter_body(idx_hbm, vx_hbm, vy_hbm, vz_hbm, out_hbm,
                  ix_v, vx_v, vy_v, vz_v, acc):
    cid = lax.axis_index("c")
    sid = lax.axis_index("s")
    wid = sid * NC + cid
    r0 = wid * ROWS

    pltpu.sync_copy(idx_hbm.at[pl.ds(r0, ROWS)], ix_v)
    pltpu.sync_copy(vx_hbm.at[pl.ds(r0, ROWS)], vx_v)
    pltpu.sync_copy(vy_hbm.at[pl.ds(r0, ROWS)], vy_v)
    pltpu.sync_copy(vz_hbm.at[pl.ds(r0, ROWS)], vz_v)

    zero16 = jnp.zeros((16,), jnp.float32)

    def zrow(i, carry):
        acc[pl.ds(i * 16, 16)] = zero16
        return carry

    lax.fori_loop(0, ACC // 16, zrow, 0)

    def srow(r, carry):
        for c in range(8):
            sl = pl.ds(c * 16, 16)
            tgt = ix_v[r, sl]
            plsc.addupdate_scatter(acc, [tgt], vx_v[r, sl])
            plsc.addupdate_scatter(acc, [tgt + NP], vy_v[r, sl])
            plsc.addupdate_scatter(acc, [tgt + 2 * NP], vz_v[r, sl])
        return carry

    lax.fori_loop(0, ROWS, srow, 0)

    pltpu.sync_copy(acc, out_hbm.at[wid])


@functools.lru_cache(maxsize=1)
def _scatter_fn():
    return pl.kernel(
        _scatter_body,
        out_type=jax.ShapeDtypeStruct((NW, ACC), jnp.float32),
        mesh=plsc.VectorSubcoreMesh(core_axis_name="c", subcore_axis_name="s"),
        compiler_params=pltpu.CompilerParams(needs_layout_passes=False),
        scratch_types=[
            pltpu.VMEM((ROWS, 128), jnp.int32),
            pltpu.VMEM((ROWS, 128), jnp.float32),
            pltpu.VMEM((ROWS, 128), jnp.float32),
            pltpu.VMEM((ROWS, 128), jnp.float32),
            pltpu.VMEM((ACC,), jnp.float32),
        ],
    )


def _combine_body(p_ref, o_ref):
    o_ref[...] = jnp.sum(p_ref[...], axis=0, keepdims=True)


def _combine(partials):
    return pl.pallas_call(
        _combine_body,
        out_shape=jax.ShapeDtypeStruct((1, ACC), jnp.float32),
    )(partials)


def kernel(xs_F_cat, edge_vec, W0, Wr1a, Wr1b, W_out, edge_idx, atomic_numbers):
    evt = jnp.transpose(edge_vec)
    evxt = evt[0:1]
    evyt = evt[1:2]
    evzt = evt[2:3]
    vx, vy, vz = _mlp(xs_F_cat, evxt, evyt, evzt, W0, Wr1a, Wr1b,
                      jnp.transpose(W_out))
    pad = EP - E

    def to_rows(a):
        return jnp.pad(a.reshape(E), (0, pad)).reshape(EP // 128, 128)

    idx2 = jnp.pad(edge_idx.astype(jnp.int32), (0, pad)).reshape(EP // 128, 128)
    partials = _scatter_fn()(idx2, to_rows(vx), to_rows(vy), to_rows(vz))
    comb = _combine(partials)
    forces = jnp.transpose(comb.reshape(3, NP))
    return forces[:N_AT]

# --- scband reference (transcript-rebuilt; emitter-appended) ---
"""Pipeline reference for scband-gem-net-ocforce-head-704374636664 (READ-ONLY COPY).

The authoritative reference and input builder live on the scoring server;
editing this copy changes nothing except your own understanding.
"""

import jax, jax.numpy as jnp
import numpy as np

N_ATOMS = 10000
N_EDGES = 320000
EMB = 128
N_BLOCKS = 4  # num_int_blocks + 1


def scaled_silu(x):
    # GemNet ScaledSiLU: silu(x) / 0.6
    return jax.nn.silu(x) * (1.0 / 0.6)


def setup_inputs(seed: int = 0) -> dict:
    key = jax.random.key(seed)
    ks = jax.random.split(key, 10)
    D_in = EMB * N_BLOCKS
    xs_F_cat = jax.random.normal(ks[0], (N_EDGES, D_in), dtype=jnp.float32)
    edge_vec = jax.random.normal(ks[1], (N_EDGES, 3), dtype=jnp.float32)
    edge_idx = jax.random.randint(ks[2], (N_EDGES,), 0, N_ATOMS, dtype=jnp.int64)
    atomic_numbers = jax.random.randint(ks[3], (N_ATOMS,), 0, 90, dtype=jnp.int64)
    # learned params (GemNet Dense layers have bias=False)
    W0 = jax.random.normal(ks[4], (D_in, EMB), dtype=jnp.float32) * (1.0 / np.sqrt(D_in))
    Wr1a = jax.random.normal(ks[5], (EMB, EMB), dtype=jnp.float32) * (1.0 / np.sqrt(EMB))
    Wr1b = jax.random.normal(ks[6], (EMB, EMB), dtype=jnp.float32) * (1.0 / np.sqrt(EMB))
    W_out = jax.random.normal(ks[7], (EMB, 1), dtype=jnp.float32) * (1.0 / np.sqrt(EMB))
    return {
        'xs_F_cat': xs_F_cat,
        'edge_vec': edge_vec,
        'W0': W0,
        'Wr1a': Wr1a,
        'Wr1b': Wr1b,
        'W_out': W_out,
        'edge_idx': edge_idx,
        'atomic_numbers': atomic_numbers,
    }


def reference(xs_F_cat, edge_vec, W0, Wr1a, Wr1b, W_out, edge_idx, atomic_numbers):
    inv_sqrt2 = 1.0 / np.sqrt(2.0)
    # out_mlp_F: Dense(D_in -> EMB, act) followed by num_global_out_layers=1 ResidualLayer
    x = scaled_silu(xs_F_cat @ W0)
    # ResidualLayer: x = (x + act(act(x @ Wa) @ Wb)) * 1/sqrt(2)
    h = scaled_silu(x @ Wr1a)
    h = scaled_silu(h @ Wr1b)
    x = (x + h) * inv_sqrt2
    # out_forces: Dense(EMB -> 1, bias=False, no activation)
    F_st = x @ W_out  # [E, 1]
    # forces_coupled = False -> skip undirected averaging
    F_st_vec = F_st[:, :, None] * edge_vec[:, None, :]  # [E, 1, 3]
    n_atoms = atomic_numbers.shape[0]
    F_t = jax.ops.segment_sum(F_st_vec, edge_idx, num_segments=n_atoms)  # [N, 1, 3]
    return F_t.squeeze(1)  # [N, 3]

if __name__ == "__main__":
    import jax
    _d = setup_inputs()
    print(jax.jit(kernel)(*tuple(_d.values())))

</pallas_src>

<mosaic_0001>
#map = affine_map<(d0, d1) -> (0, 0)>
module attributes {stable_mosaic.version = 14 : i64} {
  func.func @_scatter_body(%arg0: i32, %arg1: i32, %arg2: memref<2560x128xi32, #tpu.memory_space<hbm>>, %arg3: memref<2560x128xf32, #tpu.memory_space<hbm>>, %arg4: memref<2560x128xf32, #tpu.memory_space<hbm>>, %arg5: memref<2560x128xf32, #tpu.memory_space<hbm>>, %arg6: memref<32x30720xf32, #tpu.memory_space<hbm>>, %arg7: memref<80x128xi32, #tpu.memory_space<vmem>>, %arg8: memref<80x128xf32, #tpu.memory_space<vmem>>, %arg9: memref<80x128xf32, #tpu.memory_space<vmem>>, %arg10: memref<80x128xf32, #tpu.memory_space<vmem>>, %arg11: memref<30720xf32, #tpu.memory_space<vmem>>) attributes {dimension_semantics = [#tpu.dimension_semantics<core_parallel>, #tpu.dimension_semantics<subcore_parallel>], iteration_bounds = array<i64: 2, 16>, scalar_prefetch = 0 : i64, scratch_operands = 5 : i64, tpu.core_type = #tpu.core_type<sc_vector_subcore>, window_params = [{transform_indices = #map}, {transform_indices = #map}, {transform_indices = #map}, {transform_indices = #map}, {transform_indices = #map}]} {
    %mul3A = arith.constant 2 : i32
    %mul3A_0 = arith.muli %arg1, %mul3A : i32
    %add3A = arith.addi %mul3A_0, %arg0 : i32
    %mul3A_1 = arith.constant 80 : i32
    %mul3A_2 = arith.muli %add3A, %mul3A_1 : i32
    "tpu.region"() ({
      %run_scoped3A = tpu.sem_alloc : memref<!tpu.dma_semaphore, #tpu.memory_space<semaphore_mem>>
      %dma_start3A = arith.constant 0 : i32
      %dma_start3A_15 = tpu.memref_slice %arg2[%mul3A_2, %dma_start3A] : memref<2560x128xi32, #tpu.memory_space<hbm>> -> memref<80x128xi32, #tpu.memory_space<hbm>>
      %dma_start3A_16 = arith.constant 0 : i32
      %dma_start3A_17 = tpu.memref_slice %arg2[%mul3A_2, %dma_start3A_16] : memref<2560x128xi32, #tpu.memory_space<hbm>> -> memref<80x128xi32, #tpu.memory_space<hbm>>
      tpu.enqueue_dma source(%dma_start3A_17 : memref<80x128xi32, #tpu.memory_space<hbm>>) target(%arg7 : memref<80x128xi32, #tpu.memory_space<vmem>>) target_semaphore(%run_scoped3A : memref<!tpu.dma_semaphore, #tpu.memory_space<semaphore_mem>>)
      %dma_wait3A = arith.constant 0 : i32
      %dma_wait3A_18 = tpu.memref_slice %arg2[%mul3A_2, %dma_wait3A] : memref<2560x128xi32, #tpu.memory_space<hbm>> -> memref<80x128xi32, #tpu.memory_space<hbm>>
      %dma_wait3A_19 = arith.constant 0 : i32
      %dma_wait3A_20 = tpu.memref_slice %arg2[%mul3A_2, %dma_wait3A_19] : memref<2560x128xi32, #tpu.memory_space<hbm>> -> memref<80x128xi32, #tpu.memory_space<hbm>>
      tpu.wait_dma2 semaphore(%run_scoped3A : memref<!tpu.dma_semaphore, #tpu.memory_space<semaphore_mem>>) src(%dma_wait3A_20 : memref<80x128xi32, #tpu.memory_space<hbm>>) dst(%arg7 : memref<80x128xi32, #tpu.memory_space<vmem>>)
      tpu.yield
    }) : () -> ()
    "tpu.region"() ({
      %run_scoped3A = tpu.sem_alloc : memref<!tpu.dma_semaphore, #tpu.memory_space<semaphore_mem>>
      %dma_start3A = arith.constant 0 : i32
      %dma_start3A_15 = tpu.memref_slice %arg3[%mul3A_2, %dma_start3A] : memref<2560x128xf32, #tpu.memory_space<hbm>> -> memref<80x128xf32, #tpu.memory_space<hbm>>
      %dma_start3A_16 = arith.constant 0 : i32
      %dma_start3A_17 = tpu.memref_slice %arg3[%mul3A_2, %dma_start3A_16] : memref<2560x128xf32, #tpu.memory_space<hbm>> -> memref<80x128xf32, #tpu.memory_space<hbm>>
      tpu.enqueue_dma source(%dma_start3A_17 : memref<80x128xf32, #tpu.memory_space<hbm>>) target(%arg8 : memref<80x128xf32, #tpu.memory_space<vmem>>) target_semaphore(%run_scoped3A : memref<!tpu.dma_semaphore, #tpu.memory_space<semaphore_mem>>)
      %dma_wait3A = arith.constant 0 : i32
      %dma_wait3A_18 = tpu.memref_slice %arg3[%mul3A_2, %dma_wait3A] : memref<2560x128xf32, #tpu.memory_space<hbm>> -> memref<80x128xf32, #tpu.memory_space<hbm>>
      %dma_wait3A_19 = arith.constant 0 : i32
      %dma_wait3A_20 = tpu.memref_slice %arg3[%mul3A_2, %dma_wait3A_19] : memref<2560x128xf32, #tpu.memory_space<hbm>> -> memref<80x128xf32, #tpu.memory_space<hbm>>
      tpu.wait_dma2 semaphore(%run_scoped3A : memref<!tpu.dma_semaphore, #tpu.memory_space<semaphore_mem>>) src(%dma_wait3A_20 : memref<80x128xf32, #tpu.memory_space<hbm>>) dst(%arg8 : memref<80x128xf32, #tpu.memory_space<vmem>>)
      tpu.yield
    }) : () -> ()
    "tpu.region"() ({
      %run_scoped3A = tpu.sem_alloc : memref<!tpu.dma_semaphore, #tpu.memory_space<semaphore_mem>>
      %dma_start3A = arith.constant 0 : i32
      %dma_start3A_15 = tpu.memref_slice %arg4[%mul3A_2, %dma_start3A] : memref<2560x128xf32, #tpu.memory_space<hbm>> -> memref<80x128xf32, #tpu.memory_space<hbm>>
      %dma_start3A_16 = arith.constant 0 : i32
      %dma_start3A_17 = tpu.memref_slice %arg4[%mul3A_2, %dma_start3A_16] : memref<2560x128xf32, #tpu.memory_space<hbm>> -> memref<80x128xf32, #tpu.memory_space<hbm>>
      tpu.enqueue_dma source(%dma_start3A_17 : memref<80x128xf32, #tpu.memory_space<hbm>>) target(%arg9 : memref<80x128xf32, #tpu.memory_space<vmem>>) target_semaphore(%run_scoped3A : memref<!tpu.dma_semaphore, #tpu.memory_space<semaphore_mem>>)
      %dma_wait3A = arith.constant 0 : i32
      %dma_wait3A_18 = tpu.memref_slice %arg4[%mul3A_2, %dma_wait3A] : memref<2560x128xf32, #tpu.memory_space<hbm>> -> memref<80x128xf32, #tpu.memory_space<hbm>>
      %dma_wait3A_19 = arith.constant 0 : i32
      %dma_wait3A_20 = tpu.memref_slice %arg4[%mul3A_2, %dma_wait3A_19] : memref<2560x128xf32, #tpu.memory_space<hbm>> -> memref<80x128xf32, #tpu.memory_space<hbm>>
      tpu.wait_dma2 semaphore(%run_scoped3A : memref<!tpu.dma_semaphore, #tpu.memory_space<semaphore_mem>>) src(%dma_wait3A_20 : memref<80x128xf32, #tpu.memory_space<hbm>>) dst(%arg9 : memref<80x128xf32, #tpu.memory_space<vmem>>)
      tpu.yield
    }) : () -> ()
    "tpu.region"() ({
      %run_scoped3A = tpu.sem_alloc : memref<!tpu.dma_semaphore, #tpu.memory_space<semaphore_mem>>
      %dma_start3A = arith.constant 0 : i32
      %dma_start3A_15 = tpu.memref_slice %arg5[%mul3A_2, %dma_start3A] : memref<2560x128xf32, #tpu.memory_space<hbm>> -> memref<80x128xf32, #tpu.memory_space<hbm>>
      %dma_start3A_16 = arith.constant 0 : i32
      %dma_start3A_17 = tpu.memref_slice %arg5[%mul3A_2, %dma_start3A_16] : memref<2560x128xf32, #tpu.memory_space<hbm>> -> memref<80x128xf32, #tpu.memory_space<hbm>>
      tpu.enqueue_dma source(%dma_start3A_17 : memref<80x128xf32, #tpu.memory_space<hbm>>) target(%arg10 : memref<80x128xf32, #tpu.memory_space<vmem>>) target_semaphore(%run_scoped3A : memref<!tpu.dma_semaphore, #tpu.memory_space<semaphore_mem>>)
      %dma_wait3A = arith.constant 0 : i32
      %dma_wait3A_18 = tpu.memref_slice %arg5[%mul3A_2, %dma_wait3A] : memref<2560x128xf32, #tpu.memory_space<hbm>> -> memref<80x128xf32, #tpu.memory_space<hbm>>
      %dma_wait3A_19 = arith.constant 0 : i32
      %dma_wait3A_20 = tpu.memref_slice %arg5[%mul3A_2, %dma_wait3A_19] : memref<2560x128xf32, #tpu.memory_space<hbm>> -> memref<80x128xf32, #tpu.memory_space<hbm>>
      tpu.wait_dma2 semaphore(%run_scoped3A : memref<!tpu.dma_semaphore, #tpu.memory_space<semaphore_mem>>) src(%dma_wait3A_20 : memref<80x128xf32, #tpu.memory_space<hbm>>) dst(%arg10 : memref<80x128xf32, #tpu.memory_space<vmem>>)
      tpu.yield
    }) : () -> ()
    %broadcast_in_dim3A = arith.constant 0.000000e+00 : f32
    %broadcast_in_dim3A_3 = vector.broadcast %broadcast_in_dim3A : f32 to vector<16xf32>
    %scan3A = arith.constant 0 : i32
    %scan3A_4 = arith.constant 0 : i32
    %scan3A_5 = arith.constant 1920 : i32
    %scan3A_6 = arith.addi %scan3A_4, %scan3A_5 : i32
    %scan3A_7 = arith.constant 1 : i32
    scf.for %scan3A_15 = %scan3A_4 to %scan3A_6 step %scan3A_7  : i32 {
      %mul3A_16 = arith.constant 16 : i32
      %mul3A_17 = arith.muli %scan3A_15, %mul3A_16 : i32
      %swap3A = arith.index_cast %mul3A_17 : i32 to index
      %swap3A_18 = tpu.vector_load %arg11[%swap3A] {strides = array<i32>} : memref<30720xf32, #tpu.memory_space<vmem>>, vector<16xf32>,
      tpu.vector_store %arg11[%swap3A], %broadcast_in_dim3A_3 {strides = array<i32>} : memref<30720xf32, #tpu.memory_space<vmem>>, vector<16xf32>,
    }
    %scan3A_8 = arith.constant 1920 : i32
    %scan3A_9 = arith.constant 0 : i32
    %scan3A_10 = arith.constant 0 : i32
    %scan3A_11 = arith.constant 80 : i32
    %scan3A_12 = arith.addi %scan3A_10, %scan3A_11 : i32
    %scan3A_13 = arith.constant 1 : i32
    scf.for %scan3A_15 = %scan3A_10 to %scan3A_12 step %scan3A_13  : i32 {
      %get3A = arith.index_cast %scan3A_15 : i32 to index
      %get3A_16 = arith.constant 0 : index
      %get3A_17 = tpu.vector_load %arg7[%get3A, %get3A_16] {strides = array<i32>} : memref<80x128xi32, #tpu.memory_space<vmem>>, vector<16xi32>,
      %get3A_18 = arith.index_cast %scan3A_15 : i32 to index
      %get3A_19 = arith.constant 0 : index
      %get3A_20 = tpu.vector_load %arg8[%get3A_18, %get3A_19] {strides = array<i32>} : memref<80x128xf32, #tpu.memory_space<vmem>>, vector<16xf32>,
      tpu.vector_store_idx %arg11[%get3A_17], %get3A_20 {add = true} : memref<30720xf32, #tpu.memory_space<vmem>>[vector<16xi32>], vector<16xf32>,
      %add3A_21 = arith.constant 10240 : i32
      %add3A_22 = vector.broadcast %add3A_21 : i32 to vector<16xi32>
      %add3A_23 = arith.addi %get3A_17, %add3A_22 : vector<16xi32>
      %get3A_24 = arith.index_cast %scan3A_15 : i32 to index
      %get3A_25 = arith.constant 0 : index
      %get3A_26 = tpu.vector_load %arg9[%get3A_24, %get3A_25] {strides = array<i32>} : memref<80x128xf32, #tpu.memory_space<vmem>>, vector<16xf32>,
      tpu.vector_store_idx %arg11[%add3A_23], %get3A_26 {add = true} : memref<30720xf32, #tpu.memory_space<vmem>>[vector<16xi32>], vector<16xf32>,
      %add3A_27 = arith.constant 20480 : i32
      %add3A_28 = vector.broadcast %add3A_27 : i32 to vector<16xi32>
      %add3A_29 = arith.addi %get3A_17, %add3A_28 : vector<16xi32>
      %get3A_30 = arith.index_cast %scan3A_15 : i32 to index
      %get3A_31 = arith.constant 0 : index
      %get3A_32 = tpu.vector_load %arg10[%get3A_30, %get3A_31] {strides = array<i32>} : memref<80x128xf32, #tpu.memory_space<vmem>>, vector<16xf32>,
      tpu.vector_store_idx %arg11[%add3A_29], %get3A_32 {add = true} : memref<30720xf32, #tpu.memory_space<vmem>>[vector<16xi32>], vector<16xf32>,
      %get3A_33 = arith.index_cast %scan3A_15 : i32 to index
      %get3A_34 = arith.constant 16 : index
      %get3A_35 = tpu.vector_load %arg7[%get3A_33, %get3A_34] {strides = array<i32>} : memref<80x128xi32, #tpu.memory_space<vmem>>, vector<16xi32>,
      %get3A_36 = arith.index_cast %scan3A_15 : i32 to index
      %get3A_37 = arith.constant 16 : index
      %get3A_38 = tpu.vector_load %arg8[%get3A_36, %get3A_37] {strides = array<i32>} : memref<80x128xf32, #tpu.memory_space<vmem>>, vector<16xf32>,
      tpu.vector_store_idx %arg11[%get3A_35], %get3A_38 {add = true} : memref<30720xf32, #tpu.memory_space<vmem>>[vector<16xi32>], vector<16xf32>,
      %add3A_39 = arith.constant 10240 : i32
      %add3A_40 = vector.broadcast %add3A_39 : i32 to vector<16xi32>
      %add3A_41 = arith.addi %get3A_35, %add3A_40 : vector<16xi32>
      %get3A_42 = arith.index_cast %scan3A_15 : i32 to index
      %get3A_43 = arith.constant 16 : index
      %get3A_44 = tpu.vector_load %arg9[%get3A_42, %get3A_43] {strides = array<i32>} : memref<80x128xf32, #tpu.memory_space<vmem>>, vector<16xf32>,
      tpu.vector_store_idx %arg11[%add3A_41], %get3A_44 {add = true} : memref<30720xf32, #tpu.memory_space<vmem>>[vector<16xi32>], vector<16xf32>,
      %add3A_45 = arith.constant 20480 : i32
      %add3A_46 = vector.broadcast %add3A_45 : i32 to vector<16xi32>
      %add3A_47 = arith.addi %get3A_35, %add3A_46 : vector<16xi32>
      %get3A_48 = arith.index_cast %scan3A_15 : i32 to index
      %get3A_49 = arith.constant 16 : index
      %get3A_50 = tpu.vector_load %arg10[%get3A_48, %get3A_49] {strides = array<i32>} : memref<80x128xf32, #tpu.memory_space<vmem>>, vector<16xf32>,
      tpu.vector_store_idx %arg11[%add3A_47], %get3A_50 {add = true} : memref<30720xf32, #tpu.memory_space<vmem>>[vector<16xi32>], vector<16xf32>,
      %get3A_51 = arith.index_cast %scan3A_15 : i32 to index
      %get3A_52 = arith.constant 32 : index
      %get3A_53 = tpu.vector_load %arg7[%get3A_51, %get3A_52] {strides = array<i32>} : memref<80x128xi32, #tpu.memory_space<vmem>>, vector<16xi32>,
      %get3A_54 = arith.index_cast %scan3A_15 : i32 to index
      %get3A_55 = arith.constant 32 : index
      %get3A_56 = tpu.vector_load %arg8[%get3A_54, %get3A_55] {strides = array<i32>} : memref<80x128xf32, #tpu.memory_space<vmem>>, vector<16xf32>,
      tpu.vector_store_idx %arg11[%get3A_53], %get3A_56 {add = true} : memref<30720xf32, #tpu.memory_space<vmem>>[vector<16xi32>], vector<16xf32>,
      %add3A_57 = arith.constant 10240 : i32
      %add3A_58 = vector.broadcast %add3A_57 : i32 to vector<16xi32>
      %add3A_59 = arith.addi %get3A_53, %add3A_58 : vector<16xi32>
      %get3A_60 = arith.index_cast %scan3A_15 : i32 to index
      %get3A_61 = arith.constant 32 : index
      %get3A_62 = tpu.vector_load %arg9[%get3A_60, %get3A_61] {strides = array<i32>} : memref<80x128xf32, #tpu.memory_space<vmem>>, vector<16xf32>,
      tpu.vector_store_idx %arg11[%add3A_59], %get3A_62 {add = true} : memref<30720xf32, #tpu.memory_space<vmem>>[vector<16xi32>], vector<16xf32>,
      %add3A_63 = arith.constant 20480 : i32
      %add3A_64 = vector.broadcast %add3A_63 : i32 to vector<16xi32>
      %add3A_65 = arith.addi %get3A_53, %add3A_64 : vector<16xi32>
      %get3A_66 = arith.index_cast %scan3A_15 : i32 to index
      %get3A_67 = arith.constant 32 : index
      %get3A_68 = tpu.vector_load %arg10[%get3A_66, %get3A_67] {strides = array<i32>} : memref<80x128xf32, #tpu.memory_space<vmem>>, vector<16xf32>,
      tpu.vector_store_idx %arg11[%add3A_65], %get3A_68 {add = true} : memref<30720xf32, #tpu.memory_space<vmem>>[vector<16xi32>], vector<16xf32>,
      %get3A_69 = arith.index_cast %scan3A_15 : i32 to index
      %get3A_70 = arith.constant 48 : index
      %get3A_71 = tpu.vector_load %arg7[%get3A_69, %get3A_70] {strides = array<i32>} : memref<80x128xi32, #tpu.memory_space<vmem>>, vector<16xi32>,
      %get3A_72 = arith.index_cast %scan3A_15 : i32 to index
      %get3A_73 = arith.constant 48 : index
      %get3A_74 = tpu.vector_load %arg8[%get3A_72, %get3A_73] {strides = array<i32>} : memref<80x128xf32, #tpu.memory_space<vmem>>, vector<16xf32>,
      tpu.vector_store_idx %arg11[%get3A_71], %get3A_74 {add = true} : memref<30720xf32, #tpu.memory_space<vmem>>[vector<16xi32>], vector<16xf32>,
      %add3A_75 = arith.constant 10240 : i32
      %add3A_76 = vector.broadcast %add3A_75 : i32 to vector<16xi32>
      %add3A_77 = arith.addi %get3A_71, %add3A_76 : vector<16xi32>
      %get3A_78 = arith.index_cast %scan3A_15 : i32 to index
      %get3A_79 = arith.constant 48 : index
      %get3A_80 = tpu.vector_load %arg9[%get3A_78, %get3A_79] {strides = array<i32>} : memref<80x128xf32, #tpu.memory_space<vmem>>, vector<16xf32>,
      tpu.vector_store_idx %arg11[%add3A_77], %get3A_80 {add = true} : memref<30720xf32, #tpu.memory_space<vmem>>[vector<16xi32>], vector<16xf32>,
      %add3A_81 = arith.constant 20480 : i32
      %add3A_82 = vector.broadcast %add3A_81 : i32 to vector<16xi32>
      %add3A_83 = arith.addi %get3A_71, %add3A_82 : vector<16xi32>
      %get3A_84 = arith.index_cast %scan3A_15 : i32 to index
      %get3A_85 = arith.constant 48 : index
      %get3A_86 = tpu.vector_load %arg10[%get3A_84, %get3A_85] {strides = array<i32>} : memref<80x128xf32, #tpu.memory_space<vmem>>, vector<16xf32>,
      tpu.vector_store_idx %arg11[%add3A_83], %get3A_86 {add = true} : memref<30720xf32, #tpu.memory_space<vmem>>[vector<16xi32>], vector<16xf32>,
      %get3A_87 = arith.index_cast %scan3A_15 : i32 to index
      %get3A_88 = arith.constant 64 : index
      %get3A_89 = tpu.vector_load %arg7[%get3A_87, %get3A_88] {strides = array<i32>} : memref<80x128xi32, #tpu.memory_space<vmem>>, vector<16xi32>,
      %get3A_90 = arith.index_cast %scan3A_15 : i32 to index
      %get3A_91 = arith.constant 64 : index
      %get3A_92 = tpu.vector_load %arg8[%get3A_90, %get3A_91] {strides = array<i32>} : memref<80x128xf32, #tpu.memory_space<vmem>>, vector<16xf32>,
      tpu.vector_store_idx %arg11[%get3A_89], %get3A_92 {add = true} : memref<30720xf32, #tpu.memory_space<vmem>>[vector<16xi32>], vector<16xf32>,
      %add3A_93 = arith.constant 10240 : i32
      %add3A_94 = vector.broadcast %add3A_93 : i32 to vector<16xi32>
      %add3A_95 = arith.addi %get3A_89, %add3A_94 : vector<16xi32>
      %get3A_96 = arith.index_cast %scan3A_15 : i32 to index
      %get3A_97 = arith.constant 64 : index
      %get3A_98 = tpu.vector_load %arg9[%get3A_96, %get3A_97] {strides = array<i32>} : memref<80x128xf32, #tpu.memory_space<vmem>>, vector<16xf32>,
      tpu.vector_store_idx %arg11[%add3A_95], %get3A_98 {add = true} : memref<30720xf32, #tpu.memory_space<vmem>>[vector<16xi32>], vector<16xf32>,
      %add3A_99 = arith.constant 20480 : i32
      %add3A_100 = vector.broadcast %add3A_99 : i32 to vector<16xi32>
      %add3A_101 = arith.addi %get3A_89, %add3A_100 : vector<16xi32>
      %get3A_102 = arith.index_cast %scan3A_15 : i32 to index
      %get3A_103 = arith.constant 64 : index
      %get3A_104 = tpu.vector_load %arg10[%get3A_102, %get3A_103] {strides = array<i32>} : memref<80x128xf32, #tpu.memory_space<vmem>>, vector<16xf32>,
      tpu.vector_store_idx %arg11[%add3A_101], %get3A_104 {add = true} : memref<30720xf32, #tpu.memory_space<vmem>>[vector<16xi32>], vector<16xf32>,
      %get3A_105 = arith.index_cast %scan3A_15 : i32 to index
      %get3A_106 = arith.constant 80 : index
      %get3A_107 = tpu.vector_load %arg7[%get3A_105, %get3A_106] {strides = array<i32>} : memref<80x128xi32, #tpu.memory_space<vmem>>, vector<16xi32>,
      %get3A_108 = arith.index_cast %scan3A_15 : i32 to index
      %get3A_109 = arith.constant 80 : index
      %get3A_110 = tpu.vector_load %arg8[%get3A_108, %get3A_109] {strides = array<i32>} : memref<80x128xf32, #tpu.memory_space<vmem>>, vector<16xf32>,
      tpu.vector_store_idx %arg11[%get3A_107], %get3A_110 {add = true} : memref<30720xf32, #tpu.memory_space<vmem>>[vector<16xi32>], vector<16xf32>,
      %add3A_111 = arith.constant 10240 : i32
      %add3A_112 = vector.broadcast %add3A_111 : i32 to vector<16xi32>
      %add3A_113 = arith.addi %get3A_107, %add3A_112 : vector<16xi32>
      %get3A_114 = arith.index_cast %scan3A_15 : i32 to index
      %get3A_115 = arith.constant 80 : index
      %get3A_116 = tpu.vector_load %arg9[%get3A_114, %get3A_115] {strides = array<i32>} : memref<80x128xf32, #tpu.memory_space<vmem>>, vector<16xf32>,
      tpu.vector_store_idx %arg11[%add3A_113], %get3A_116 {add = true} : memref<30720xf32, #tpu.memory_space<vmem>>[vector<16xi32>], vector<16xf32>,
      %add3A_117 = arith.constant 20480 : i32
      %add3A_118 = vector.broadcast %add3A_117 : i32 to vector<16xi32>
      %add3A_119 = arith.addi %get3A_107, %add3A_118 : vector<16xi32>
      %get3A_120 = arith.index_cast %scan3A_15 : i32 to index
      %get3A_121 = arith.constant 80 : index
      %get3A_122 = tpu.vector_load %arg10[%get3A_120, %get3A_121] {strides = array<i32>} : memref<80x128xf32, #tpu.memory_space<vmem>>, vector<16xf32>,
      tpu.vector_store_idx %arg11[%add3A_119], %get3A_122 {add = true} : memref<30720xf32, #tpu.memory_space<vmem>>[vector<16xi32>], vector<16xf32>,
      %get3A_123 = arith.index_cast %scan3A_15 : i32 to index
      %get3A_124 = arith.constant 96 : index
      %get3A_125 = tpu.vector_load %arg7[%get3A_123, %get3A_124] {strides = array<i32>} : memref<80x128xi32, #tpu.memory_space<vmem>>, vector<16xi32>,
      %get3A_126 = arith.index_cast %scan3A_15 : i32 to index
      %get3A_127 = arith.constant 96 : index
      %get3A_128 = tpu.vector_load %arg8[%get3A_126, %get3A_127] {strides = array<i32>} : memref<80x128xf32, #tpu.memory_space<vmem>>, vector<16xf32>,
      tpu.vector_store_idx %arg11[%get3A_125], %get3A_128 {add = true} : memref<30720xf32, #tpu.memory_space<vmem>>[vector<16xi32>], vector<16xf32>,
      %add3A_129 = arith.constant 10240 : i32
      %add3A_130 = vector.broadcast %add3A_129 : i32 to vector<16xi32>
      %add3A_131 = arith.addi %get3A_125, %add3A_130 : vector<16xi32>
      %get3A_132 = arith.index_cast %scan3A_15 : i32 to index
      %get3A_133 = arith.constant 96 : index
      %get3A_134 = tpu.vector_load %arg9[%get3A_132, %get3A_133] {strides = array<i32>} : memref<80x128xf32, #tpu.memory_space<vmem>>, vector<16xf32>,
      tpu.vector_store_idx %arg11[%add3A_131], %get3A_134 {add = true} : memref<30720xf32, #tpu.memory_space<vmem>>[vector<16xi32>], vector<16xf32>,
      %add3A_135 = arith.constant 20480 : i32
      %add3A_136 = vector.broadcast %add3A_135 : i32 to vector<16xi32>
      %add3A_137 = arith.addi %get3A_125, %add3A_136 : vector<16xi32>
      %get3A_138 = arith.index_cast %scan3A_15 : i32 to index
      %get3A_139 = arith.constant 96 : index
      %get3A_140 = tpu.vector_load %arg10[%get3A_138, %get3A_139] {strides = array<i32>} : memref<80x128xf32, #tpu.memory_space<vmem>>, vector<16xf32>,
      tpu.vector_store_idx %arg11[%add3A_137], %get3A_140 {add = true} : memref<30720xf32, #tpu.memory_space<vmem>>[vector<16xi32>], vector<16xf32>,
      %get3A_141 = arith.index_cast %scan3A_15 : i32 to index
      %get3A_142 = arith.constant 112 : index
      %get3A_143 = tpu.vector_load %arg7[%get3A_141, %get3A_142] {strides = array<i32>} : memref<80x128xi32, #tpu.memory_space<vmem>>, vector<16xi32>,
      %get3A_144 = arith.index_cast %scan3A_15 : i32 to index
      %get3A_145 = arith.constant 112 : index
      %get3A_146 = tpu.vector_load %arg8[%get3A_144, %get3A_145] {strides = array<i32>} : memref<80x128xf32, #tpu.memory_space<vmem>>, vector<16xf32>,
      tpu.vector_store_idx %arg11[%get3A_143], %get3A_146 {add = true} : memref<30720xf32, #tpu.memory_space<vmem>>[vector<16xi32>], vector<16xf32>,
      %add3A_147 = arith.constant 10240 : i32
      %add3A_148 = vector.broadcast %add3A_147 : i32 to vector<16xi32>
      %add3A_149 = arith.addi %get3A_143, %add3A_148 : vector<16xi32>
      %get3A_150 = arith.index_cast %scan3A_15 : i32 to index
      %get3A_151 = arith.constant 112 : index
      %get3A_152 = tpu.vector_load %arg9[%get3A_150, %get3A_151] {strides = array<i32>} : memref<80x128xf32, #tpu.memory_space<vmem>>, vector<16xf32>,
      tpu.vector_store_idx %arg11[%add3A_149], %get3A_152 {add = true} : memref<30720xf32, #tpu.memory_space<vmem>>[vector<16xi32>], vector<16xf32>,
      %add3A_153 = arith.constant 20480 : i32
      %add3A_154 = vector.broadcast %add3A_153 : i32 to vector<16xi32>
      %add3A_155 = arith.addi %get3A_143, %add3A_154 : vector<16xi32>
      %get3A_156 = arith.index_cast %scan3A_15 : i32 to index
      %get3A_157 = arith.constant 112 : index
      %get3A_158 = tpu.vector_load %arg10[%get3A_156, %get3A_157] {strides = array<i32>} : memref<80x128xf32, #tpu.memory_space<vmem>>, vector<16xf32>,
      tpu.vector_store_idx %arg11[%add3A_155], %get3A_158 {add = true} : memref<30720xf32, #tpu.memory_space<vmem>>[vector<16xi32>], vector<16xf32>,
    }
    %scan3A_14 = arith.constant 80 : i32
    "tpu.region"() ({
      %run_scoped3A = tpu.sem_alloc : memref<!tpu.dma_semaphore, #tpu.memory_space<semaphore_mem>>
      %dma_start3A = arith.constant 0 : i32
      %dma_start3A_15 = tpu.memref_slice %arg6[%add3A, %dma_start3A] : memref<32x30720xf32, #tpu.memory_space<hbm>> -> memref<1x30720xf32, #tpu.memory_space<hbm>>
      %dma_start3A_16 = tpu.memref_squeeze %dma_start3A_15 : memref<1x30720xf32, #tpu.memory_space<hbm>> -> memref<30720xf32, #tpu.memory_space<hbm>>
      %dma_start3A_17 = arith.constant 0 : i32
      %dma_start3A_18 = tpu.memref_slice %arg6[%add3A, %dma_start3A_17] : memref<32x30720xf32, #tpu.memory_space<hbm>> -> memref<1x30720xf32, #tpu.memory_space<hbm>>
      %dma_start3A_19 = tpu.memref_squeeze %dma_start3A_18 : memref<1x30720xf32, #tpu.memory_space<hbm>> -> memref<30720xf32, #tpu.memory_space<hbm>>
      tpu.enqueue_dma source(%arg11 : memref<30720xf32, #tpu.memory_space<vmem>>) target(%dma_start3A_19 : memref<30720xf32, #tpu.memory_space<hbm>>) target_semaphore(%run_scoped3A : memref<!tpu.dma_semaphore, #tpu.memory_space<semaphore_mem>>)
      %dma_wait3A = arith.constant 0 : i32
      %dma_wait3A_20 = tpu.memref_slice %arg6[%add3A, %dma_wait3A] : memref<32x30720xf32, #tpu.memory_space<hbm>> -> memref<1x30720xf32, #tpu.memory_space<hbm>>
      %dma_wait3A_21 = tpu.memref_squeeze %dma_wait3A_20 : memref<1x30720xf32, #tpu.memory_space<hbm>> -> memref<30720xf32, #tpu.memory_space<hbm>>
      %dma_wait3A_22 = arith.constant 0 : i32
      %dma_wait3A_23 = tpu.memref_slice %arg6[%add3A, %dma_wait3A_22] : memref<32x30720xf32, #tpu.memory_space<hbm>> -> memref<1x30720xf32, #tpu.memory_space<hbm>>
      %dma_wait3A_24 = tpu.memref_squeeze %dma_wait3A_23 : memref<1x30720xf32, #tpu.memory_space<hbm>> -> memref<30720xf32, #tpu.memory_space<hbm>>
      tpu.wait_dma2 semaphore(%run_scoped3A : memref<!tpu.dma_semaphore, #tpu.memory_space<semaphore_mem>>) src(%arg11 : memref<30720xf32, #tpu.memory_space<vmem>>) dst(%dma_wait3A_24 : memref<30720xf32, #tpu.memory_space<hbm>>)
      tpu.yield
    }) : () -> ()
    return
  }
}

module attributes {stable_mosaic.version = 14 : i64} {
  func.func @_mlp_body(%arg0: i32, %arg1: memref<2560x512xf32, #tpu.memory_space<vmem>>, %arg2: memref<1x2560xf32, #tpu.memory_space<vmem>>, %arg3: memref<1x2560xf32, #tpu.memory_space<vmem>>, %arg4: memref<1x2560xf32, #tpu.memory_space<vmem>>, %arg5: memref<512x128xf32, #tpu.memory_space<vmem>>, %arg6: memref<128x128xf32, #tpu.memory_space<vmem>>, %arg7: memref<128x128xf32, #tpu.memory_space<vmem>>, %arg8: memref<1x128xf32, #tpu.memory_space<vmem>>, %arg9: memref<1x2560xf32, #tpu.memory_space<vmem>>, %arg10: memref<1x2560xf32, #tpu.memory_space<vmem>>, %arg11: memref<1x2560xf32, #tpu.memory_space<vmem>>) attributes {dimension_semantics = [#tpu.dimension_semantics<arbitrary>], iteration_bounds = array<i64: 125>, scalar_prefetch = 0 : i64, scratch_operands = 0 : i64, tpu.core_type = #tpu.core_type<tc>, window_params = [{transform_indices = @transform_0, window_bounds = array<i64: 2560, 512>}, {transform_indices = @transform_1, window_bounds = array<i64: 1, 2560>}, {transform_indices = @transform_2, window_bounds = array<i64: 1, 2560>}, {transform_indices = @transform_3, window_bounds = array<i64: 1, 2560>}, {pipeline_mode = #tpu.pipeline_mode<synchronous>, transform_indices = @transform_4, window_bounds = array<i64: 512, 128>}, {pipeline_mode = #tpu.pipeline_mode<synchronous>, transform_indices = @transform_5, window_bounds = array<i64: 128, 128>}, {pipeline_mode = #tpu.pipeline_mode<synchronous>, transform_indices = @transform_6, window_bounds = array<i64: 128, 128>}, {pipeline_mode = #tpu.pipeline_mode<synchronous>, transform_indices = @transform_7, window_bounds = array<i64: 1, 128>}, {transform_indices = @transform_8, window_bounds = array<i64: 1, 2560>}, {transform_indices = @transform_9, window_bounds = array<i64: 1, 2560>}, {transform_indices = @transform_10, window_bounds = array<i64: 1, 2560>}]} {
    %get3A = arith.constant 0 : index
    %get3A_0 = arith.constant 0 : index
    %get3A_1 = vector.load %arg1[%get3A, %get3A_0] : memref<2560x512xf32, #tpu.memory_space<vmem>>, vector<2560x512xf32>
    %get3A_2 = arith.constant 0 : index
    %get3A_3 = arith.constant 0 : index
    %get3A_4 = vector.load %arg5[%get3A_2, %get3A_3] : memref<512x128xf32, #tpu.memory_space<vmem>>, vector<512x128xf32>
    %dot_general3A = arith.constant dense<0.000000e+00> : vector<2560x128xf32>
    %dot_general3A_5 = tpu.matmul %get3A_1, %get3A_4, %dot_general3A {dimension_numbers = #tpu.dot_dimension_numbers<[1], [0], [0], [1], [0, 0, 1, 1], [], []>, transpose_lhs_hint = false} : vector<2560x512xf32>, vector<512x128xf32>, vector<2560x128xf32> -> vector<2560x128xf32>
    %logistic3A = arith.negf %dot_general3A_5 : vector<2560x128xf32>
    %logistic3A_6 = math.exp %logistic3A : vector<2560x128xf32>
    %logistic3A_7 = arith.constant 1.000000e+00 : f32
    %logistic3A_8 = vector.broadcast %logistic3A_7 : f32 to vector<2560x128xf32>
    %logistic3A_9 = arith.addf %logistic3A_8, %logistic3A_6 : vector<2560x128xf32>
    %logistic3A_10 = arith.divf %logistic3A_8, %logistic3A_9 : vector<2560x128xf32>
    %mul3A = arith.mulf %dot_general3A_5, %logistic3A_10 : vector<2560x128xf32>
    %mul3A_11 = arith.constant 1.66666663 : f32
    %mul3A_12 = vector.broadcast %mul3A_11 : f32 to vector<2560x128xf32>
    %mul3A_13 = arith.mulf %mul3A, %mul3A_12 : vector<2560x128xf32>
    %get3A_14 = arith.constant 0 : index
    %get3A_15 = arith.constant 0 : index
    %get3A_16 = vector.load %arg6[%get3A_14, %get3A_15] : memref<128x128xf32, #tpu.memory_space<vmem>>, vector<128x128xf32>
    %dot_general3A_17 = arith.constant dense<0.000000e+00> : vector<2560x128xf32>
    %dot_general3A_18 = tpu.matmul %mul3A_13, %get3A_16, %dot_general3A_17 {dimension_numbers = #tpu.dot_dimension_numbers<[1], [0], [0], [1], [0, 0, 1, 1], [], []>, transpose_lhs_hint = false} : vector<2560x128xf32>, vector<128x128xf32>, vector<2560x128xf32> -> vector<2560x128xf32>
    %logistic3A_19 = arith.negf %dot_general3A_18 : vector<2560x128xf32>
    %logistic3A_20 = math.exp %logistic3A_19 : vector<2560x128xf32>
    %logistic3A_21 = arith.constant 1.000000e+00 : f32
    %logistic3A_22 = vector.broadcast %logistic3A_21 : f32 to vector<2560x128xf32>
    %logistic3A_23 = arith.addf %logistic3A_22, %logistic3A_20 : vector<2560x128xf32>
    %logistic3A_24 = arith.divf %logistic3A_22, %logistic3A_23 : vector<2560x128xf32>
    %mul3A_25 = arith.mulf %dot_general3A_18, %logistic3A_24 : vector<2560x128xf32>
    %mul3A_26 = arith.constant 1.66666663 : f32
    %mul3A_27 = vector.broadcast %mul3A_26 : f32 to vector<2560x128xf32>
    %mul3A_28 = arith.mulf %mul3A_25, %mul3A_27 : vector<2560x128xf32>
    %get3A_29 = arith.constant 0 : index
    %get3A_30 = arith.constant 0 : index
    %get3A_31 = vector.load %arg7[%get3A_29, %get3A_30] : memref<128x128xf32, #tpu.memory_space<vmem>>, vector<128x128xf32>
    %dot_general3A_32 = arith.constant dense<0.000000e+00> : vector<2560x128xf32>
    %dot_general3A_33 = tpu.matmul %mul3A_28, %get3A_31, %dot_general3A_32 {dimension_numbers = #tpu.dot_dimension_numbers<[1], [0], [0], [1], [0, 0, 1, 1], [], []>, transpose_lhs_hint = false} : vector<2560x128xf32>, vector<128x128xf32>, vector<2560x128xf32> -> vector<2560x128xf32>
    %logistic3A_34 = arith.negf %dot_general3A_33 : vector<2560x128xf32>
    %logistic3A_35 = math.exp %logistic3A_34 : vector<2560x128xf32>
    %logistic3A_36 = arith.constant 1.000000e+00 : f32
    %logistic3A_37 = vector.broadcast %logistic3A_36 : f32 to vector<2560x128xf32>
    %logistic3A_38 = arith.addf %logistic3A_37, %logistic3A_35 : vector<2560x128xf32>
    %logistic3A_39 = arith.divf %logistic3A_37, %logistic3A_38 : vector<2560x128xf32>
    %mul3A_40 = arith.mulf %dot_general3A_33, %logistic3A_39 : vector<2560x128xf32>
    %mul3A_41 = arith.constant 1.66666663 : f32
    %mul3A_42 = vector.broadcast %mul3A_41 : f32 to vector<2560x128xf32>
    %mul3A_43 = arith.mulf %mul3A_40, %mul3A_42 : vector<2560x128xf32>
    %add3A = arith.addf %mul3A_13, %mul3A_43 : vector<2560x128xf32>
    %mul3A_44 = arith.constant 0.707106769 : f32
    %mul3A_45 = vector.broadcast %mul3A_44 : f32 to vector<2560x128xf32>
    %mul3A_46 = arith.mulf %add3A, %mul3A_45 : vector<2560x128xf32>
    %transpose3A = tpu.transpose %mul3A_46, [1, 0] : vector<2560x128xf32> -> vector<128x2560xf32>
    %get3A_47 = arith.constant 0 : index
    %get3A_48 = arith.constant 0 : index
    %get3A_49 = vector.load %arg8[%get3A_47, %get3A_48] : memref<1x128xf32, #tpu.memory_space<vmem>>, vector<1x128xf32>
    %dot_general3A_50 = arith.constant dense<0.000000e+00> : vector<1x2560xf32>
    %dot_general3A_51 = tpu.matmul %get3A_49, %transpose3A, %dot_general3A_50 {dimension_numbers = #tpu.dot_dimension_numbers<[1], [0], [0], [1], [0, 0, 1, 1], [], []>, transpose_lhs_hint = false} : vector<1x128xf32>, vector<128x2560xf32>, vector<1x2560xf32> -> vector<1x2560xf32>
    %get3A_52 = arith.constant 0 : index
    %get3A_53 = arith.constant 0 : index
    %get3A_54 = vector.load %arg2[%get3A_52, %get3A_53] : memref<1x2560xf32, #tpu.memory_space<vmem>>, vector<1x2560xf32>
    %mul3A_55 = arith.mulf %dot_general3A_51, %get3A_54 : vector<1x2560xf32>
    %swap3A = arith.constant 0 : index
    %swap3A_56 = arith.constant 0 : index
    %swap3A_57 = vector.load %arg9[%swap3A, %swap3A_56] : memref<1x2560xf32, #tpu.memory_space<vmem>>, vector<1x2560xf32>
    tpu.vector_store %arg9[%swap3A, %swap3A_56], %mul3A_55 {strides = array<i32>} : memref<1x2560xf32, #tpu.memory_space<vmem>>, vector<1x2560xf32>,
    %get3A_58 = arith.constant 0 : index
    %get3A_59 = arith.constant 0 : index
    %get3A_60 = vector.load %arg3[%get3A_58, %get3A_59] : memref<1x2560xf32, #tpu.memory_space<vmem>>, vector<1x2560xf32>
    %mul3A_61 = arith.mulf %dot_general3A_51, %get3A_60 : vector<1x2560xf32>
    %swap3A_62 = arith.constant 0 : index
    %swap3A_63 = arith.constant 0 : index
    %swap3A_64 = vector.load %arg10[%swap3A_62, %swap3A_63] : memref<1x2560xf32, #tpu.memory_space<vmem>>, vector<1x2560xf32>
    tpu.vector_store %arg10[%swap3A_62, %swap3A_63], %mul3A_61 {strides = array<i32>} : memref<1x2560xf32, #tpu.memory_space<vmem>>, vector<1x2560xf32>,
    %get3A_65 = arith.constant 0 : index
    %get3A_66 = arith.constant 0 : index
    %get3A_67 = vector.load %arg4[%get3A_65, %get3A_66] : memref<1x2560xf32, #tpu.memory_space<vmem>>, vector<1x2560xf32>
    %mul3A_68 = arith.mulf %dot_general3A_51, %get3A_67 : vector<1x2560xf32>
    %swap3A_69 = arith.constant 0 : index
    %swap3A_70 = arith.constant 0 : index
    %swap3A_71 = vector.load %arg11[%swap3A_69, %swap3A_70] : memref<1x2560xf32, #tpu.memory_space<vmem>>, vector<1x2560xf32>
    tpu.vector_store %arg11[%swap3A_69, %swap3A_70], %mul3A_68 {strides = array<i32>} : memref<1x2560xf32, #tpu.memory_space<vmem>>, vector<1x2560xf32>,
    return
  }
  func.func @transform_0(%arg0: i32) -> (i32, i32) {
    %c0_i32 = arith.constant 0 : i32
    %c0_i32_0 = arith.constant 0 : i32
    return %arg0, %c0_i32 : i32, i32
  }
  func.func @transform_1(%arg0: i32) -> (i32, i32) {
    %c0_i32 = arith.constant 0 : i32
    %c0_i32_0 = arith.constant 0 : i32
    return %c0_i32, %arg0 : i32, i32
  }
  func.func @transform_2(%arg0: i32) -> (i32, i32) {
    %c0_i32 = arith.constant 0 : i32
    %c0_i32_0 = arith.constant 0 : i32
    return %c0_i32, %arg0 : i32, i32
  }
  func.func @transform_3(%arg0: i32) -> (i32, i32) {
    %c0_i32 = arith.constant 0 : i32
    %c0_i32_0 = arith.constant 0 : i32
    return %c0_i32, %arg0 : i32, i32
  }
  func.func @transform_4(%arg0: i32) -> (i32, i32) {
    %c0_i32 = arith.constant 0 : i32
    %c0_i32_0 = arith.constant 0 : i32
    %c0_i32_1 = arith.constant 0 : i32
    return %c0_i32, %c0_i32_0 : i32, i32
  }
  func.func @transform_5(%arg0: i32) -> (i32, i32) {
    %c0_i32 = arith.constant 0 : i32
    %c0_i32_0 = arith.constant 0 : i32
    %c0_i32_1 = arith.constant 0 : i32
    return %c0_i32, %c0_i32_0 : i32, i32
  }
  func.func @transform_6(%arg0: i32) -> (i32, i32) {
    %c0_i32 = arith.constant 0 : i32
    %c0_i32_0 = arith.constant 0 : i32
    %c0_i32_1 = arith.constant 0 : i32
    return %c0_i32, %c0_i32_0 : i32, i32
  }
  func.func @transform_7(%arg0: i32) -> (i32, i32) {
    %c0_i32 = arith.constant 0 : i32
    %c0_i32_0 = arith.constant 0 : i32
    %c0_i32_1 = arith.constant 0 : i32
    return %c0_i32, %c0_i32_0 : i32, i32
  }
  func.func @transform_8(%arg0: i32) -> (i32, i32) {
    %c0_i32 = arith.constant 0 : i32
    %c0_i32_0 = arith.constant 0 : i32
    return %c0_i32, %arg0 : i32, i32
  }
  func.func @transform_9(%arg0: i32) -> (i32, i32) {
    %c0_i32 = arith.constant 0 : i32
    %c0_i32_0 = arith.constant 0 : i32
    return %c0_i32, %arg0 : i32, i32
  }
  func.func @transform_10(%arg0: i32) -> (i32, i32) {
    %c0_i32 = arith.constant 0 : i32
    %c0_i32_0 = arith.constant 0 : i32
    return %c0_i32, %arg0 : i32, i32
  }
}

module attributes {stable_mosaic.version = 14 : i64} {
  func.func @_combine_body(%arg0: memref<32x30720xf32, #tpu.memory_space<vmem>>, %arg1: memref<1x30720xf32, #tpu.memory_space<vmem>>) attributes {dimension_semantics = [], scalar_prefetch = 0 : i64, scratch_operands = 0 : i64, tpu.core_type = #tpu.core_type<tc>} {
    %get3A = arith.constant 0 : index
    %get3A_0 = arith.constant 0 : index
    %get3A_1 = vector.load %arg0[%get3A, %get3A_0] : memref<32x30720xf32, #tpu.memory_space<vmem>>, vector<32x30720xf32>
    %reduce_sum3A = arith.constant dense<0.000000e+00> : vector<30720xf32>
    %reduce_sum3A_2 = vector.multi_reduction <add>, %get3A_1, %reduce_sum3A [0] : vector<32x30720xf32> to vector<30720xf32>
    %broadcast_in_dim3A = vector.shape_cast %reduce_sum3A_2 : vector<30720xf32> to vector<1x30720xf32>
    %swap3A = arith.constant 0 : index
    %swap3A_3 = arith.constant 0 : index
    %swap3A_4 = vector.load %arg1[%swap3A, %swap3A_3] : memref<1x30720xf32, #tpu.memory_space<vmem>>, vector<1x30720xf32>
    tpu.vector_store %arg1[%swap3A, %swap3A_3], %broadcast_in_dim3A {strides = array<i32>} : memref<1x30720xf32, #tpu.memory_space<vmem>>, vector<1x30720xf32>,
    return
  }
}

</mosaic_0001>

<sc_bundles>
// kernel: kernel.5.cloned.1.call-start
scs
__scs_entry_jumppad:
0x0: {  	(pc) =	sbr.rel $0x88, $3  }
0x1: {  	(tag) =	ssettag $0x0;
	lr =	simm.s32 $0x1  }
0x2: {  	[smem:$0x3F9A] =	sst lr;
	_ =	strace $0xD0000000  }
0x3: {  	_ = 	snop  }
0x4: {  	_ = 	snop  }
0x5: {  	_ = 	snop  }
0x6: {  	_ = 	snop  }
0x7: {  	_ = 	snop  }
__scs_overlays_trampoline_lowered:
0x8: {  	[smem:$0x3FA9] =	sst s0  }
0x9: {  	[smem:$0x3FAA] =	sst s1  }
0xa: {  	[smem:$0x3FAB] =	sst s2  }
0xb: {  	[smem:$0x3FAC] =	sst s3  }
0xc: {  	[smem:$0x3FAD] =	sst s4  }
0xd: {  	[smem:$0x3FAE] =	sst s5  }
0xe: {  	[smem:$0x3FAF] =	sst s6  }
0xf: {  	[smem:$0x3FB0] =	sst s7  }
0x10: {  	[smem:$0x3FB1] =	sst s8  }
0x11: {  	[smem:$0x3FB2] =	sst s9;
	s0 =	simm.s32 @!p0 $0x0  }
0x12: {  	s1 =	sld [smem:$0x3F98];
	s0 =	simm.s32 @p0 $0x1  }
0x13: {  	[smem:$0x3FB3] =	sst s0;
	s0 =	simm.s32 @!p1 $0x0  }
0x14: {  	s2 =	sld [smem:$0x3F97];
	s0 =	simm.s32 @p1 $0x1  }
0x15: {  	[smem:$0x3FB4] =	sst s0;
	s0 =	simm.s32 @!p2 $0x0  }
0x16: {  	s3 =	sld [smem:$0x3FDB];
	s0 =	simm.s32 @p2 $0x1  }
0x17: {  	s4 =	simm.s32 $0x1BF5;
	[smem:$0x3FB6] =	sst s0  }
0x18: {  	s0 =	sld [smem:$0x3F99];
	_ =	swait.ge [sflag:s4], $0x0  }
0x19: {  	s7 =	sld [smem:$0x3F9A]  }
0x1a: {  	s8 =	sadd.s32 $0xFFFFE003, lr  }
0x1b: {  	s9 =	sadd.s32 $0xFFFFFEF7, lr;
	s5 =	simm.s32 $0xFFFFFFFF;
	p2 =	slt.u32 s8, $0xFFFFF086  }
0x1c: {  	p1 =	slt.u32 s9, $0xF7A;
	s5 =	simm.s32 @!p2 $0x0  }
0x1d: {  	s5 =	simm.s32 @p1 $0x1;
	p0 =	seq.s32 s7, s2  }
0x1e: {  	s7 =	smul.u32 @!p0 $0xF7A, s2;
	p2 =	seq.s32 @!p0 s5, $0x0  }
0x1f: {  	s9 =	smul.u32 $0xF7A, s1;
	s8 =	simm.s32 @!p0 $0x1BF5;
	p2 =	por !p2, p0  }
0x20: {  	[sflag:s8] =	ssyncset.s32 @!p0 $0xFFFFF086;
	s6 =	sadd.s32 @!p0 s3, s7;
	s7 =	simm.s32 @!p0 $0x108  }
0x21: {  	s3 =	sadd.s32 s3, s9;
	s6 =	sadd.s32 @!p0 $0x88, s6;
	s7 =	simm.s32 @p2 $0x1082  }
0x22: {  	[simem:s7], [sflag:s8] =	dma.local @!p0 [hbm:s6], $0xF7A  }
0x23: {  	s9 =	sor.u32 $0xD0000000, s2;
	s6 =	simm.s32 $0x108;
	_ =	swait.ge @!p0 [sflag:s8], $0x0  }
0x24: {  	s3 =	sadd.s32 $0x88, s3;
	s6 =	simm.s32 @!p1 $0x1082;
	[sflag:s4] =	ssyncset.s32 $0xFFFFF086  }
0x25: {  	[simem:s6], [sflag:s4] =	dma.local [hbm:s3], $0xF7A  }
0x26: {  	[smem:$0x3F9A] =	sst s1;
	(tag) =	ssettag s2;
	_ =	strace s9  }
0x27: {  	s1 =	sld [smem:$0x3FAA]  }
0x28: {  	s2 =	sld [smem:$0x3FAB]  }
0x29: {  	s4 =	sld [smem:$0x3FAD]  }
0x2a: {  	p0 =	seq.s32 s5, $0x0;
	s5 =	sld [smem:$0x3FAE]  }
0x2b: {  	s6 =	sld [smem:$0x3FAF]  }
0x2c: {  	s7 =	sld [smem:$0x3FB0]  }
0x2d: {  	s3 =	simm.s32 $0x108;
	s8 =	sld [smem:$0x3FB1]  }
0x2e: {  	s3 =	simm.s32 @!p0 $0x1082;
	s9 =	sld [smem:$0x3FB2]  }
0x2f: {  	lr =	sadd.s32 s0, s3;
	s0 =	sld [smem:$0x3FA9]  }
0x30: {  	s3 =	sld [smem:$0x3FAC]  }
0x31: {  	[smem:$0x3FB5] =	sst s10  }
0x32: {  	s10 =	sld [smem:$0x3FB3];
	_ =	sdelay $0x3  }
0x33: {  	p0 =	seq.s32 s10, $0x1;
	s10 =	sld [smem:$0x3FB5];
	_ =	sdelay $0x3  }
0x34: {  	[smem:$0x3FB5] =	sst s10  }
0x35: {  	s10 =	sld [smem:$0x3FB4];
	_ =	sdelay $0x3  }
0x36: {  	p1 =	seq.s32 s10, $0x1;
	s10 =	sld [smem:$0x3FB5];
	_ =	sdelay $0x3  }
0x37: {  	[smem:$0x3FB5] =	sst s10  }
0x38: {  	s10 =	sld [smem:$0x3FB6]  }
0x39: {  	_ = 	snop;
	(pc) =	sbr.ind lr, $3  }
0x3a: {  	_ = 	snop  }
0x3b: {  	_ = 	snop  }
0x3c: {  	p2 =	seq.s32 s10, $0x1;
	s10 =	sld [smem:$0x3FB5]  }
0x3d: {  	_ =	shalt  }
0x3e: {  	_ =	shalt  }
0x3f: {  	_ =	shalt  }
0x40: {  	_ =	shalt  }
0x41: {  	_ =	shalt  }
0x42: {  	_ =	shalt  }
0x43: {  	_ =	shalt  }
0x44: {  	_ =	shalt  }
0x45: {  	_ =	shalt  }
0x46: {  	_ =	shalt  }
0x47: {  	_ =	shalt  }
0x48: {  	_ =	shalt  }
0x49: {  	_ =	shalt  }
0x4a: {  	_ =	shalt  }
0x4b: {  	_ =	shalt  }
0x4c: {  	_ =	shalt  }
0x4d: {  	_ =	shalt  }
0x4e: {  	_ =	shalt  }
0x4f: {  	_ =	shalt  }
0x50: {  	_ =	shalt  }
0x51: {  	_ =	shalt  }
0x52: {  	_ =	shalt  }
0x53: {  	_ =	shalt  }
0x54: {  	_ =	shalt  }
0x55: {  	_ =	shalt  }
0x56: {  	_ =	shalt  }
0x57: {  	_ =	shalt  }
0x58: {  	_ =	shalt  }
0x59: {  	_ =	shalt  }
0x5a: {  	_ =	shalt  }
0x5b: {  	_ =	shalt  }
0x5c: {  	_ =	shalt  }
0x5d: {  	_ =	shalt  }
0x5e: {  	_ =	shalt  }
0x5f: {  	_ =	shalt  }
0x60: {  	_ =	shalt  }
0x61: {  	_ =	shalt  }
0x62: {  	_ =	shalt  }
0x63: {  	_ =	shalt  }
0x64: {  	_ =	shalt  }
0x65: {  	_ =	shalt  }
0x66: {  	_ =	shalt  }
0x67: {  	_ =	shalt  }
0x68: {  	_ =	shalt  }
0x69: {  	_ =	shalt  }
0x6a: {  	_ =	shalt  }
0x6b: {  	_ =	shalt  }
0x6c: {  	_ =	shalt  }
0x6d: {  	_ =	shalt  }
0x6e: {  	_ =	shalt  }
0x6f: {  	_ =	shalt  }
0x70: {  	_ =	shalt  }
0x71: {  	_ =	shalt  }
0x72: {  	_ =	shalt  }
0x73: {  	_ =	shalt  }
0x74: {  	_ =	shalt  }
0x75: {  	_ =	shalt  }
0x76: {  	_ =	shalt  }
0x77: {  	_ =	shalt  }
0x78: {  	_ =	shalt  }
0x79: {  	_ =	shalt  }
0x7a: {  	_ =	shalt  }
0x7b: {  	_ =	shalt  }
0x7c: {  	_ =	shalt  }
0x7d: {  	_ =	shalt  }
0x7e: {  	_ =	shalt  }
0x7f: {  	_ =	shalt  }
0x80: {  	_ =	shalt  }
0x81: {  	_ =	shalt  }
0x82: {  	_ =	shalt  }
0x83: {  	_ =	shalt  }
0x84: {  	_ =	shalt  }
0x85: {  	_ =	shalt  }
0x86: {  	_ =	shalt  }
0x87: {  	_ =	shalt  }
.Lfunc_end0:
.L_simem_size_0:
called_computation_lowered:
.L_overlay_start_0:
0x88: {  	s2 =	sld [smem:$0x3FD9]  }
0x89: {  	s3 =	sld [smem:$0x3FFE];
	_ =	sdelay $0x1  }
0x8a: {  	s1 =	srdreg.scid  }
0x8b: {  	s0 =	sand.u32 $0x1, s1  }
0x8c: {  	s16 =	sshll.u32 s0, $0xA;
	s2 =	sadd.s32 s3, s2  }
0x8d: {  	s2 =	sadd.s32 s2, s16  }
0x8e: {  	[smem:$0x3FC1] =	sst s2  }
0x8f: {  	_ = 	snop  }
0x90: {  	(tm) =	ssettm $0x1  }
0x91: {  	s17 =	sld [smem:$0x3FFB];
	_ =	sdelay $0x3  }
0x92: {  	_ =	strace s17  }
0x93: {  	s2 =	sld [smem:$0x3FFC];
	_ =	sdelay $0x3  }
0x94: {  	_ =	strace s2  }
0x95: {  	s2 =	sld [smem:$0x3FFD];
	_ =	sdelay $0x3  }
0x96: {  	_ =	strace s2  }
0x97: {  	_ =	strace $0x8FFFFFFF  }
0x98: {  	s18 =	sld [smem:$0x3FDB];
	_ =	sdelay $0x1  }
0x99: {  	s19 =	simm.s32 $_scs_section_size  }
0x9a: {  	s4 =	simm.s32 $_size__tile_overlayer_lowered;
	s5 =	simm.s32 $_tile_overlayer_lowered  }
0x9b: {  	s22 =	simm.s32 $0x1BFF;
	s21 =	sshll.u32 s5, $0x1;
	s2 =	sadd.s32 s19, s18  }
0x9c: {  	s6 =	simm.s32 $0x0;
	s20 =	sshll.u32 s4, $0x1;
	s4 =	sadd.s32 s21, s2  }
0x9d: {  	[timem:s6], [sflag:s22] =	dma.local [hbm:s4], s20  }
0x9e: {  	_ =	swait.ge [sflag:s22], s20  }
0x9f: {  	s3 =	ssub.s32 $0x0, s20;
	[sflag:s22] =	ssyncset.done $0x0  }
0xa0: {  	[sflag:s22] =	ssyncadd.s32 s3;
	_ =	sdelay $0x1  }
0xa1: {  	s23 =	simm.s32 $0x1B8B  }
0xa2: {  	_ =	swait.ge [sflag:s23], $0x1  }
0xa3: {  	[sflag:s23] =	ssyncset.done $0x0  }
0xa4: {  	s25 =	simm.s32 $0x1B8E;
	s24 =	sld [smem:$0x3FFE];
	[sflag:s23] =	ssyncadd.s32 $0xFFFFFFFF  }
0xa5: {  	s26 =	simm.s32 $execute0_lowered;
	[smem:$0x3FD2] =	sst s25  }
0xa6: {  	s4 =	sshll.u32 s26, $0x1;
	_ =	strace $0x80000046;
	[dreg:$0x1] =	wrdreg $0xFFFFFFFF  }
0xa7: {  	s28 =	simm.s32 $_size_execute0_lowered;
	s2 =	sadd.s32 s2, s4;
	[dreg:$0x0] =	wrdreg $0x0  }
0xa8: {  	s4 =	sshll.u32 s28, $0x1;
	[dreg:$0x2] =	wrdreg s2  }
0xa9: {  	[dreg:$0x3] =	wrdreg s4  }
0xaa: {  	[dreg:$0x4] =	wrdreg $0xC0  }
0xab: {  	_ =	task [dreg:s6], $0x5FFFF  }
0xac: {  	[dreg:$0x1] =	wrdreg $0xFFFFFFFF  }
0xad: {  	[dreg:$0x0] =	wrdreg $0x60  }
0xae: {  	[dreg:$0x2] =	wrdreg s24  }
0xaf: {  	[dreg:$0x3] =	wrdreg $0x9  }
0xb0: {  	_ =	task.clear_ibuf [dreg:s6], $0x4FFFF;
	_ =	strace $0x90000046  }
0xb1: {  	s29 =	simm.s32 $0x9;
	_ =	strace $0x80000048  }
0xb2: {  	_ =	swait.ge [sflag:s29], $0x1  }
0xb3: {  	[sflag:s29] =	ssyncadd.s32 $0xFFFFFFFF  }
0xb4: {  	_ =	strace $0x90000048  }
0xb5: {  	_ =	sfence  }
0xb6: {  	s30 =	sld [smem:$0x0];
	_ =	sdelay $0x2  }
0xb7: {  	s31 =	sshll.u32 s1, $0xD;
	s1 =	sshrl.u32 s1, $0x2  }
0xb8: {  	s3 =	sand.u32 $0x4000, s31;
	s1 =	sadd.s32 s1, s30  }
0xb9: {  	s0 =	sor.u32 s3, s0;
	s1 =	sshll.u32 s1, $0x11  }
0xba: {  	s0 =	sor.u32 s1, s0  }
0xbb: {  	s0 =	sadd.s32 $0x8F2B, s0  }
0xbc: {  	[sflag:s0] =	ssyncadd.remote.s32 $0x1  }
0xbd: {  	_ =	sfence.sel $0xFFFF  }
0xbe: {  	[dreg:$0x0] =	wrdreg $0xFFFFFFFF;
	(pc) =	sbr.abs _section_cstart, $3  }
0xbf: {  	[dreg:$0x1] =	wrdreg $0xFFFFFFFF  }
0xc0: {  	_ =	task.clear_ibuf [dreg:s6], $0x2FFFF;
	_ =	strace $0x9FFFFFFF  }
0xc1: {  	(tm) =	ssettm $0x7FFFFFFF  }
tec
execute0_lowered:
.L_overlay_start_1:
0x0: {  	(tag) =	ssettag $0x1  }
0x1: {  	s1 =	srdreg.scid;
	s0 =	stileid.u32  }
0x2: {  	s4 =	rddreg [dreg:$0x0];
	s10 =	simm.s32 $0x2800;
	s11 =	simm.s32 $0x5000  }
0x3: {  	s12 =	simm.s32 $0x7800;
	s13 =	simm.s32 $0xA000;
	s14 =	simm.s32 $0x80  }
0x4: {  	s15 =	simm.s32 $0x400;
	s16 =	simm.s32 $0x0;
	s3 =	sand.u32 $0x1, s1  }
0x5: {  	s2 =	sshll.u32 s0, $0x1;
	s1 =	rddreg [dreg:$0x1];
	s6 =	sshrl.u32 s0, $0x2  }
0x6: {  	s5 =	sor.u32 s3, s2;
	s2 =	simm.s32 $0x0;
	s6 =	smul.u32 $0x3C000, s6  }
0x7: {  	s31 =	ssub.s32 $0x2, s3;
	s7 =	sshll.u32 s5, $0x7;
	[smem:$0x7FF] =	sst s2  }
0x8: {  	s5 =	smul.u32 $0x500, s5;
	s8 =	sshrl.u32 s31, $0x1;
	s7 =	sand.u32 $0x380, s7  }
0x9: {  	_ =	strace $0x80000047;
	s8 =	ssub.s32 s31, s8;
	s6 =	sor.u32 s6, s7  }
0xa: {  	s3 =	sadd.s32 s4, s5;
	s8 =	smax.u32 s8, $0x1;
	s6 =	sshrl.u32 s6, $0x3  }
0xb: {  	s5 =	sadd.s32 $0x1E000, s3;
	s9 =	sadd.s32 s6, s4;
	s4 =	sadd.s32 $0xA000, s3  }
0xc: {  	v0 =	vimm.f32 $0.0e+00;
	s6 =	sadd.s32 $0x14000, s3;
	s7 =	sadd.s32 $0x28000, s9;
	s9 =	simm.s32 $0x1  }
.LBB2_1:
0xd: {  	[tilespmem:s2], [sflag:$0x1] =	stream.linear.gather [hbm4b:s4+s2], $0x2800, $0x38;
	[tilespmem:$0x11800] =	vst v63  }
0xe: {  	_ =	swait.ge [sflag:s9], $0x2800  }
0xf: {  	[sflag:s9] =	ssyncset.done $0x0  }
0x10: {  	[sflag:s9] =	ssyncadd.s32 $0xFFFFD800  }
0x11: {  	[tilespmem:s10], [sflag:$0x1] =	stream.linear.gather [hbm4b:s3+s2], $0x2800, $0x38;
	[tilespmem:$0x11800] =	vst v63  }
0x12: {  	_ =	swait.ge [sflag:s9], $0x2800  }
0x13: {  	[sflag:s9] =	ssyncset.done $0x0  }
0x14: {  	[sflag:s9] =	ssyncadd.s32 $0xFFFFD800  }
0x15: {  	[tilespmem:s11], [sflag:$0x1] =	stream.linear.gather [hbm4b:s5+s2], $0x2800, $0x38;
	[tilespmem:$0x11800] =	vst v63  }
0x16: {  	_ =	swait.ge [sflag:s9], $0x2800  }
0x17: {  	[sflag:s9] =	ssyncset.done $0x0  }
0x18: {  	[sflag:s9] =	ssyncadd.s32 $0xFFFFD800  }
0x19: {  	[tilespmem:s12], [sflag:$0x1] =	stream.linear.gather [hbm4b:s6+s2], $0x2800, $0x38;
	[tilespmem:$0x11800] =	vst v63  }
0x1a: {  	_ =	swait.ge [sflag:s9], $0x2800  }
0x1b: {  	[sflag:s9] =	ssyncset.done $0x0  }
0x1c: {  	s17 =	simm.s32 $0x0;
	[sflag:s9] =	ssyncadd.s32 $0xFFFFD800  }
.LBB2_2:
0x1d: {  	p0 =	sne.s32 s17, $0x1DFC0  }
.Ltmp0:
0x1e: {  	_ = 	snop;
	(pc) =	sbr.rel @p0 .LBB2_2-.Ltmp0, $3  }
0x1f: {  	_ =	sdelay $0x1  }
0x20: {  	s18 =	sshra.s32 s17, $0x2  }
0x21: {  	s17 =	sadd.s32 $0x40, s17;
	[tilespmem:s18+$0xA000] =	vst v0  }
0x22: {  	s17 =	simm.s32 $0x0  }
.LBB2_4:
0x23: {  	s18 =	sshra.s32 s17, $0x2  }
0x24: {  	v1 =	vld [tilespmem:s18+$0x0];
	_ =	sdelay $0x2  }
0x25: {  	v2 =	vld [tilespmem:s18+$0x2800];
	_ =	sdelay $0x4  }
0x26: {  	[tilespmem:v1+s13+$0x0] =	vst.idx.add.f32.msk $0xffff, v2  }
0x27: {  	v3 =	vadd.s32 $0x2800, v1;
	v2 =	vld [tilespmem:s18+$0x5000];
	_ =	sdelay $0x4  }
0x28: {  	[tilespmem:v3+s13+$0x0] =	vst.idx.add.f32.msk $0xffff, v2  }
0x29: {  	v1 =	vadd.s32 $0x5000, v1;
	v2 =	vld [tilespmem:s18+$0x7800];
	_ =	sdelay $0x4  }
0x2a: {  	[tilespmem:v1+s13+$0x0] =	vst.idx.add.f32.msk $0xffff, v2  }
0x2b: {  	v1 =	vld [tilespmem:s18+$0x10];
	_ =	sdelay $0x2  }
0x2c: {  	v2 =	vld [tilespmem:s18+$0x2810];
	_ =	sdelay $0x4  }
0x2d: {  	[tilespmem:v1+s13+$0x0] =	vst.idx.add.f32.msk $0xffff, v2  }
0x2e: {  	v3 =	vadd.s32 $0x2800, v1;
	v2 =	vld [tilespmem:s18+$0x5010];
	_ =	sdelay $0x4  }
0x2f: {  	[tilespmem:v3+s13+$0x0] =	vst.idx.add.f32.msk $0xffff, v2  }
0x30: {  	v1 =	vadd.s32 $0x5000, v1;
	v2 =	vld [tilespmem:s18+$0x7810];
	_ =	sdelay $0x4  }
0x31: {  	[tilespmem:v1+s13+$0x0] =	vst.idx.add.f32.msk $0xffff, v2  }
0x32: {  	v1 =	vld [tilespmem:s18+$0x20];
	_ =	sdelay $0x2  }
0x33: {  	v2 =	vld [tilespmem:s18+$0x2820];
	_ =	sdelay $0x4  }
0x34: {  	[tilespmem:v1+s13+$0x0] =	vst.idx.add.f32.msk $0xffff, v2  }
0x35: {  	v3 =	vadd.s32 $0x2800, v1;
	v2 =	vld [tilespmem:s18+$0x5020];
	_ =	sdelay $0x4  }
0x36: {  	[tilespmem:v3+s13+$0x0] =	vst.idx.add.f32.msk $0xffff, v2  }
0x37: {  	v1 =	vadd.s32 $0x5000, v1;
	v2 =	vld [tilespmem:s18+$0x7820];
	_ =	sdelay $0x4  }
0x38: {  	[tilespmem:v1+s13+$0x0] =	vst.idx.add.f32.msk $0xffff, v2  }
0x39: {  	v1 =	vld [tilespmem:s18+$0x30];
	_ =	sdelay $0x2  }
0x3a: {  	v2 =	vld [tilespmem:s18+$0x2830];
	_ =	sdelay $0x4  }
0x3b: {  	[tilespmem:v1+s13+$0x0] =	vst.idx.add.f32.msk $0xffff, v2  }
0x3c: {  	v3 =	vadd.s32 $0x2800, v1;
	v2 =	vld [tilespmem:s18+$0x5030];
	_ =	sdelay $0x4  }
0x3d: {  	[tilespmem:v3+s13+$0x0] =	vst.idx.add.f32.msk $0xffff, v2  }
0x3e: {  	v1 =	vadd.s32 $0x5000, v1;
	v2 =	vld [tilespmem:s18+$0x7830];
	_ =	sdelay $0x4  }
0x3f: {  	[tilespmem:v1+s13+$0x0] =	vst.idx.add.f32.msk $0xffff, v2  }
0x40: {  	v1 =	vld [tilespmem:s18+$0x40];
	_ =	sdelay $0x2  }
0x41: {  	v2 =	vld [tilespmem:s18+$0x2840];
	_ =	sdelay $0x4  }
0x42: {  	[tilespmem:v1+s13+$0x0] =	vst.idx.add.f32.msk $0xffff, v2  }
0x43: {  	v3 =	vadd.s32 $0x2800, v1;
	v2 =	vld [tilespmem:s18+$0x5040];
	_ =	sdelay $0x4  }
0x44: {  	[tilespmem:v3+s13+$0x0] =	vst.idx.add.f32.msk $0xffff, v2  }
0x45: {  	v1 =	vadd.s32 $0x5000, v1;
	v2 =	vld [tilespmem:s18+$0x7840];
	_ =	sdelay $0x4  }
0x46: {  	[tilespmem:v1+s13+$0x0] =	vst.idx.add.f32.msk $0xffff, v2  }
0x47: {  	v1 =	vld [tilespmem:s18+$0x50];
	_ =	sdelay $0x2  }
0x48: {  	v2 =	vld [tilespmem:s18+$0x2850];
	_ =	sdelay $0x4  }
0x49: {  	[tilespmem:v1+s13+$0x0] =	vst.idx.add.f32.msk $0xffff, v2  }
0x4a: {  	v3 =	vadd.s32 $0x2800, v1;
	v2 =	vld [tilespmem:s18+$0x5050];
	_ =	sdelay $0x4  }
0x4b: {  	[tilespmem:v3+s13+$0x0] =	vst.idx.add.f32.msk $0xffff, v2  }
0x4c: {  	v1 =	vadd.s32 $0x5000, v1;
	v2 =	vld [tilespmem:s18+$0x7850];
	_ =	sdelay $0x4  }
0x4d: {  	[tilespmem:v1+s13+$0x0] =	vst.idx.add.f32.msk $0xffff, v2  }
0x4e: {  	v1 =	vld [tilespmem:s18+$0x60];
	_ =	sdelay $0x2  }
0x4f: {  	v2 =	vld [tilespmem:s18+$0x2860];
	_ =	sdelay $0x4  }
0x50: {  	[tilespmem:v1+s13+$0x0] =	vst.idx.add.f32.msk $0xffff, v2  }
0x51: {  	v3 =	vadd.s32 $0x2800, v1;
	v2 =	vld [tilespmem:s18+$0x5060];
	_ =	sdelay $0x4  }
0x52: {  	[tilespmem:v3+s13+$0x0] =	vst.idx.add.f32.msk $0xffff, v2  }
0x53: {  	v1 =	vadd.s32 $0x5000, v1;
	v2 =	vld [tilespmem:s18+$0x7860];
	_ =	sdelay $0x4  }
0x54: {  	[tilespmem:v1+s13+$0x0] =	vst.idx.add.f32.msk $0xffff, v2  }
0x55: {  	v1 =	vld [tilespmem:s18+$0x70];
	_ =	sdelay $0x2  }
0x56: {  	v2 =	vld [tilespmem:s18+$0x2870];
	_ =	sdelay $0x4  }
0x57: {  	[tilespmem:v1+s13+$0x0] =	vst.idx.add.f32.msk $0xffff, v2  }
0x58: {  	v3 =	vadd.s32 $0x2800, v1;
	v2 =	vld [tilespmem:s18+$0x5070];
	_ =	sdelay $0x4  }
0x59: {  	[tilespmem:v3+s13+$0x0] =	vst.idx.add.f32.msk $0xffff, v2  }
0x5a: {  	p0 =	sne.s32 s17, $0x9E00;
	v1 =	vadd.s32 $0x5000, v1;
	v2 =	vld [tilespmem:s18+$0x7870]  }
.Ltmp1:
0x5b: {  	_ = 	snop;
	(pc) =	sbr.rel @p0 .LBB2_4-.Ltmp1, $2  }
0x5c: {  	_ =	sdelay $0x2  }
0x5d: {  	s17 =	sadd.s32 $0x200, s17;
	[tilespmem:v1+s13+$0x0] =	vst.idx.add.f32.msk $0xffff, v2  }
0x5e: {  	s16 =	sadd.s32 $0x1, s16  }
0x5f: {  	p0 =	sne.s32 s16, s8  }
.Ltmp2:
0x60: {  	_ = 	snop;
	(pc) =	sbr.rel @p0 .LBB2_1-.Ltmp2, $4  }
0x61: {  	[hbm4b:s7+s14] =	stream.strided.scatter [tilespmem:s13], [sflag:$0x1], $0x7800, s15, s14, $0x38;
	[tilespmem:$0x11800] =	vst v63  }
0x62: {  	_ =	swait.ge [sflag:s9], $0x7800  }
0x63: {  	[sflag:s9] =	ssyncset.done $0x0  }
0x64: {  	[sflag:s9] =	ssyncadd.s32 $0xFFFF8800  }
0x65: {  	_ =	sfence.sel $0x180000  }
0x66: {  	[bflag:$0x0] =	sbarrier.arrive $0xFFFF  }
0x67: {  	p0 =	sne.s32 s0, $0x0;
	_ =	strace $0x90000047  }
0x68: {  	s0 =	sadd.s32 @!p0 $0x100000, s1;
	[bflag:$0x2] =	sbarrier.arrive $0xFFFF  }
0x69: {  	[sflag:s0] =	ssyncadd.tile.s32 @!p0 $0x1;
	_ =	shalt  }
.Lfunc_end2:
_tile_overlayer_lowered:
.L_overlay_start_2:
0x6a: {  	(tag) =	ssettag $0x2  }
0x6b: {  	s0 =	rddreg [dreg:$0x0];
	s2 =	stileid.u32  }
0x6c: {  	s1 =	rddreg [dreg:$0x1];
	p0 =	sne.s32 s2, $0x0  }
0x6d: {  	s3 =	rddreg [dreg:$0x2];
	[bflag:$0x3] =	sbarrier.arrive $0xFFFF;
	s2 =	simm.s32 @!p0 $0x1C01  }
0x6e: {  	[timem:s3], [sflag:s2] =	dma.local @!p0 [hbm:s0], s1  }
0x6f: {  	s0 =	simm.s32 @!p0 $0x1  }
0x70: {  	_ =	swait.ge @!p0 [sflag:s0], s1  }
0x71: {  	s1 =	ssub.s32 @!p0 $0x0, s1;
	[sflag:s0] =	ssyncset.done @!p0 $0x0  }
0x72: {  	[sflag:s0] =	ssyncadd.s32 @!p0 s1  }
0x73: {  	[bflag:$0x3] =	sbarrier.arrive $0xFFFF  }
0x74: {  	_ =	shalt  }

</sc_bundles>
